<compile_context>
chip_gen: v7x
topology: tpu7x:2x2x1
jax: 0.10.2.dev20260603
libtpu: 0.0.44.dev20260713+nightly
codegen_flags: <defaults>
</compile_context>

<pallas_src>
import functools

import jax
import jax.numpy as jnp
from jax import lax
from jax.experimental import pallas as pl
from jax.experimental.pallas import tpu as pltpu
from jax.experimental.pallas import tpu_sc as plsc

_N = 5120
_K = 256
_NS = 16
_NPT = _N // _NS
_VPT = _NPT // 16
_BINS = 64
_CAND = 320
_CANDP = _CAND + 16
_NTILES = 32
_SPT = _CAND // _NTILES
_ROWP = 272
_OUTROWS = 336
_STOP = 0


def _sc_body(hs_hbm, aux_hbm, obj_hbm, dis_hbm, mq_hbm,
             out_hbm, tki_hbm,
             cls_v, obj_v, dis_v, mq_v, keys_v, idxs_v, q_v,
             hist_v, hsum_v, zer_v, iota64_v, zcand_v, cnt_v, stage_v,
             nstage_v,
             cand_key, cand_idx, gidx_v, sgidx_v, small_v, rowbuf_v,
             spm_hist, spm_cnt, spm_key, spm_idx,
             gsem, wsem):
    sid = lax.axis_index("s")
    cid = lax.axis_index("c")
    wid = cid * _NS + sid
    base = sid * _NPT
    lane = lax.iota(jnp.int32, 16)
    zeros = jnp.zeros((16,), jnp.int32)
    ones = jnp.ones((16,), jnp.int32)

    if _STOP == 0:
        return
    pltpu.sync_copy(aux_hbm.at[pl.ds(4 * _N + base, _NPT)], cls_v)
    pltpu.sync_copy(obj_hbm.at[pl.ds(base, _NPT)], obj_v)
    pltpu.sync_copy(dis_hbm.at[pl.ds(base, _NPT)], dis_v)
    pltpu.sync_copy(mq_hbm.at[pl.ds(base, _NPT)], mq_v)

    for v in range(_VPT):
        sl = pl.ds(v * 16, 16)
        s = 1.0 / (1.0 + jnp.exp(-cls_v[sl]))
        ob = obj_v[sl]
        di = dis_v[sl]
        mq = mq_v[sl]
        newly = (ob == -1) & (s >= 0.7)
        dropped = (s < 0.6) & (di + 1 >= 5)
        valid = (mq == 1) & (newly | ((ob >= 0) & (~dropped)))
        keys_v[sl] = jnp.where(valid, plsc.bitcast(s, jnp.int32), 0)
        q_v[sl] = jnp.where(valid, (s * 4096.0).astype(jnp.int32), 0)
        idxs_v[sl] = base + v * 16 + lane

    if _STOP == 1:
        return
    for g in range(_BINS // 16):
        zer_v[pl.ds(g * 16, 16)] = zeros
        iota64_v[pl.ds(g * 16, 16)] = g * 16 + lane
    for g in range(_CANDP // 16):
        zcand_v[pl.ds(g * 16, 16)] = zeros

    lb = lane * _BINS

    def histogram(digit_fn):
        for g in range(_BINS):
            hist_v[pl.ds(g * 16, 16)] = zeros
        for v in range(_VPT):
            q = q_v[pl.ds(v * 16, 16)]
            d, msk = digit_fn(q)
            if msk is None:
                plsc.addupdate_scatter(hist_v, [lb + d], ones)
            else:
                plsc.addupdate_scatter(hist_v, [lb + d], ones, mask=msk)
        for g in range(_BINS // 16):
            bins16 = g * 16 + lane
            acc = zeros
            for l in range(16):
                acc = acc + plsc.load_gather(hist_v, [l * _BINS + bins16])
            hsum_v[pl.ds(g * 16, 16)] = acc
        plsc.subcore_barrier()

        @pl.when(sid == 0)
        def _():
            pltpu.sync_copy(zer_v, spm_hist)

        plsc.subcore_barrier()
        pltpu.sync_copy(hsum_v, spm_hist.at[iota64_v], add=True)
        plsc.subcore_barrier()
        pltpu.sync_copy(spm_hist, hsum_v)

    def pick_bin(rem):
        vecs = [hsum_v[pl.ds(g * 16, 16)] for g in range(_BINS // 16)]
        carry = jnp.int32(0)
        bstar = jnp.int32(-1)
        for g in range(_BINS // 16 - 1, -1, -1):
            suff = lax.rev(plsc.cumsum(lax.rev(vecs[g], (0,))), (0,)) + carry
            binv = jnp.where(suff >= rem, g * 16 + lane, -1)
            bstar = jnp.maximum(bstar, jnp.max(binv))
            carry = carry + jnp.sum(vecs[g])
        above = jnp.int32(0)
        for g in range(_BINS // 16):
            above = above + jnp.sum(
                jnp.where(g * 16 + lane > bstar, vecs[g], 0))
        return bstar, above

    histogram(lambda q: (jnp.right_shift(q, 6), None))
    b1, ca1 = pick_bin(jnp.int32(_K))
    histogram(lambda q: (q & 63, jnp.right_shift(q, 6) == b1))
    b2, _ca2 = pick_bin(_K - ca1)
    t2q = b1 * 64 + b2
    if _STOP == 2:
        return

    selcnt = jnp.int32(0)
    for v in range(_VPT):
        q = q_v[pl.ds(v * 16, 16)]
        selcnt = selcnt + jnp.sum(jnp.where(q >= t2q, 1, 0))
    stage_v[...] = zeros + selcnt

    plsc.subcore_barrier()
    pltpu.sync_copy(stage_v, spm_cnt.at[pl.ds(sid * 16, 16)])

    @pl.when(sid == 0)
    def _():
        pltpu.sync_copy(zcand_v, spm_key)
        pltpu.sync_copy(zcand_v, spm_idx)

    plsc.subcore_barrier()
    pltpu.sync_copy(spm_cnt, cnt_v)
    cnts = plsc.load_gather(cnt_v, [lane * 16])
    off = jnp.sum(jnp.where(lane < sid, cnts, 0))
    for v in range(_VPT):
        sl = pl.ds(v * 16, 16)
        sel = q_v[sl] >= t2q
        pc = plsc.cumsum(jnp.where(sel, 1, 0))
        slots = off + pc - 1
        slots = jnp.where(sel & (slots < _CAND), slots, _CAND + lane)
        cnt_here = jnp.max(pc)

        @pl.when(cnt_here > 0)
        def _():
            pltpu.sync_copy(keys_v.at[sl], spm_key.at[slots])
            pltpu.sync_copy(idxs_v.at[sl], spm_idx.at[slots])

        off = off + cnt_here

    plsc.subcore_barrier()
    pltpu.sync_copy(spm_key, cand_key)
    pltpu.sync_copy(spm_idx, cand_idx)

    if _STOP == 3:
        return
    myslots = jnp.where(lane < _SPT, wid * _SPT + lane, _CANDP - 1)
    mykeys = plsc.load_gather(cand_key, [myslots])
    myidxs = plsc.load_gather(cand_idx, [myslots])
    mk = [jnp.sum(jnp.where(lane == j, mykeys, 0)) for j in range(_SPT)]
    mi = [jnp.sum(jnp.where(lane == j, myidxs, 0)) for j in range(_SPT)]
    accs = [zeros for _ in range(_SPT)]
    for w in range(_CANDP // 16):
        ck = cand_key[pl.ds(w * 16, 16)]
        ci = cand_idx[pl.ds(w * 16, 16)]
        for j in range(_SPT):
            beat = (ck > mk[j]) | ((ck == mk[j]) & (ci < mi[j]))
            accs[j] = accs[j] + jnp.where(beat, 1, 0)
    ranks = [jnp.sum(accs[j]) for j in range(_SPT)]

    if _STOP == 4:
        return
    lane5120 = lane * _N
    for j in range(_SPT):
        n = mi[j]
        for g in range(16):
            gidx_v[pl.ds(j * 256 + g * 16, 16)] = n + lane5120 + g * (16 * _N)
        sg = jnp.where(lane < 5, lane * _N + n, 0)
        sgidx_v[pl.ds(j * 16, 16)] = sg

    copies = []
    for j in range(_SPT):
        copies.append(pltpu.async_copy(
            hs_hbm.at[gidx_v.at[pl.ds(j * 256, 128)]],
            rowbuf_v.at[pl.ds(j * _ROWP + 8, 128)], gsem))
        copies.append(pltpu.async_copy(
            hs_hbm.at[gidx_v.at[pl.ds(j * 256 + 128, 128)]],
            rowbuf_v.at[pl.ds(j * _ROWP + 136, 128)], gsem))
        copies.append(pltpu.async_copy(
            aux_hbm.at[sgidx_v.at[pl.ds(j * 16, 16)]],
            small_v.at[pl.ds(j * 16, 16)], gsem))
    for c in copies:
        c.wait()
    if _STOP == 5:
        return

    for j in range(_SPT):
        vals = small_v[pl.ds(j * 16, 16)]
        sig = 1.0 / (1.0 + jnp.exp(-vals))
        outv = jnp.where(lane < 4, sig, vals)
        plsc.store_scatter(rowbuf_v, [j * _ROWP + 1 + lane], outv,
                           mask=lane < 5)
        scorevec = plsc.bitcast(zeros + mk[j], jnp.float32)
        plsc.store_scatter(rowbuf_v, [lane * 0 + j * _ROWP], scorevec,
                           mask=lane == 0)

    wcopies = []
    for j in range(_SPT):
        dst = jnp.minimum(ranks[j], _OUTROWS - 1) * _ROWP
        wcopies.append(pltpu.async_copy(
            rowbuf_v.at[pl.ds(j * _ROWP, _ROWP)],
            out_hbm.at[pl.ds(dst, _ROWP)], wsem))

    rankvec = zeros
    for j in range(_SPT):
        rankvec = rankvec + jnp.where(lane == j, ranks[j], 0)
    posvec = jnp.where((lane < _SPT) & (rankvec < _K), rankvec, _K + lane)
    nstage_v[...] = myidxs
    wcopies.append(pltpu.async_copy(nstage_v, tki_hbm.at[posvec], wsem))
    for c in wcopies:
        c.wait()


_mesh = plsc.VectorSubcoreMesh(core_axis_name="c", subcore_axis_name="s",
                               num_cores=1, num_subcores=_NS)

_sc_call = pl.kernel(
    _sc_body,
    out_type=(
        jax.ShapeDtypeStruct((_OUTROWS * _ROWP,), jnp.float32),
        jax.ShapeDtypeStruct((_K + 16,), jnp.int32),
    ),
    mesh=_mesh,
    compiler_params=pltpu.CompilerParams(needs_layout_passes=False, skip_device_barrier=True),
    scratch_types=[
        pltpu.VMEM((_NPT,), jnp.float32),
        pltpu.VMEM((_NPT,), jnp.int32),
        pltpu.VMEM((_NPT,), jnp.int32),
        pltpu.VMEM((_NPT,), jnp.int32),
        pltpu.VMEM((_NPT,), jnp.int32),
        pltpu.VMEM((_NPT,), jnp.int32),
        pltpu.VMEM((_NPT,), jnp.int32),
        pltpu.VMEM((16 * _BINS,), jnp.int32),
        pltpu.VMEM((_BINS,), jnp.int32),
        pltpu.VMEM((_BINS,), jnp.int32),
        pltpu.VMEM((_BINS,), jnp.int32),
        pltpu.VMEM((_CANDP,), jnp.int32),
        pltpu.VMEM((256,), jnp.int32),
        pltpu.VMEM((16,), jnp.int32),
        pltpu.VMEM((16,), jnp.int32),
        pltpu.VMEM((_CANDP,), jnp.int32),
        pltpu.VMEM((_CANDP,), jnp.int32),
        pltpu.VMEM((_SPT * 256,), jnp.int32),
        pltpu.VMEM((_SPT * 16,), jnp.int32),
        pltpu.VMEM((_SPT * 16,), jnp.float32),
        pltpu.VMEM((_SPT * _ROWP,), jnp.float32),
        pltpu.VMEM_SHARED((_BINS,), jnp.int32),
        pltpu.VMEM_SHARED((256,), jnp.int32),
        pltpu.VMEM_SHARED((_CANDP,), jnp.int32),
        pltpu.VMEM_SHARED((_CANDP,), jnp.int32),
        pltpu.SemaphoreType.DMA,
        pltpu.SemaphoreType.DMA,
    ],
)


def kernel(out_hs, outputs_classes_head, outputs_coords_head, obj_idxes,
           disappear_time, mask_query):
    hs_flat = out_hs.reshape(256 * _N)
    aux = jnp.concatenate([outputs_coords_head.reshape(4 * _N),
                           outputs_classes_head.reshape(_N)])
    out_flat, tki = _sc_call(hs_flat, aux, obj_idxes, disappear_time,
                             mask_query)
    rows = out_flat.reshape(_OUTROWS, _ROWP)
    out = jnp.concatenate([rows[:_K, :6], rows[:_K, 8:264]], axis=1)
    return out, tki[:_K]

# --- scband reference (transcript-rebuilt; emitter-appended) ---
"""Pipeline reference for scband-motr-post-process-83021717832047 (READ-ONLY COPY).

The authoritative reference and input builder live on the scoring server;
editing this copy changes nothing except your own understanding.
"""

import jax, jax.numpy as jnp
import numpy as np

MAX_TRACK = 256
SCORE_THRESH = 0.7
FILTER_SCORE_THRESH = 0.6
MISS_TOLERANCE = 5


def setup_inputs(seed: int = 0) -> dict:
    key = jax.random.key(seed)
    k1, k2, k3, k4, k5, k6 = jax.random.split(key, 6)
    out_hs = jax.random.normal(k1, (1, 256, 64, 80), dtype=jnp.float32)
    outputs_classes_head = jax.random.normal(k2, (1, 1, 64, 80), dtype=jnp.float32)
    outputs_coords_head = jax.random.normal(k3, (1, 4, 64, 80), dtype=jnp.float32)
    n = 64 * 80
    obj_idxes = jax.random.randint(k4, (n,), -1, 100, dtype=jnp.int32)
    disappear_time = jax.random.randint(k5, (n,), 0, 5, dtype=jnp.int32)
    mask_query = jax.random.randint(k6, (n,), 0, 2, dtype=jnp.int32)
    return {
        "out_hs": out_hs,
        "outputs_classes_head": outputs_classes_head,
        "outputs_coords_head": outputs_coords_head,
        "obj_idxes": obj_idxes,
        "disappear_time": disappear_time,
        "mask_query": mask_query,
    }


def reference(out_hs, outputs_classes_head, outputs_coords_head, obj_idxes, disappear_time, mask_query):
    # _head_out_reshape_permute: [B, C, H, W] -> [B, H*W, C]
    B, C, H, W = out_hs.shape
    hs = out_hs.reshape(B, C, H * W).transpose(0, 2, 1).astype(jnp.float32)
    cls = outputs_classes_head.reshape(B, outputs_classes_head.shape[1], H * W).transpose(0, 2, 1).astype(jnp.float32)
    coord = outputs_coords_head.reshape(B, outputs_coords_head.shape[1], H * W).transpose(0, 2, 1).astype(jnp.float32)

    # _prepare_infer_process
    coord_sig = jax.nn.sigmoid(coord)
    scores = jax.nn.sigmoid(cls[0])[:, 0]  # [N]
    pred_logits = cls[0]                   # [N, 1]
    pred_boxes = coord_sig[0]              # [N, 4]
    output_embedding = hs[0]               # [N, C]

    # RuntimeTrackerBase.update, vectorized (cumsum replaces the sequential id counter)
    dis = jnp.where(scores >= SCORE_THRESH, 0, disappear_time)
    newly_active = (obj_idxes == -1) & (scores >= SCORE_THRESH)
    new_ids = jnp.cumsum(newly_active.astype(jnp.int32)) - 1
    obj2 = jnp.where(newly_active, new_ids, obj_idxes)
    lost = (obj_idxes >= 0) & (scores < FILTER_SCORE_THRESH)
    dis = jnp.where(lost, dis + 1, dis)
    obj2 = jnp.where(lost & (dis >= MISS_TOLERANCE), -1, obj2)

    # keep mask_query == 1 then active tracks (obj >= 0); fixed-size via masked topk
    valid = (mask_query == 1) & (obj2 >= 0)
    masked_scores = jnp.where(valid, scores, -jnp.inf)
    topk_scores, topk_idx = jax.lax.top_k(masked_scores, MAX_TRACK)

    sel_boxes = pred_boxes[topk_idx]         # [K, 4]
    sel_logits = pred_logits[topk_idx]       # [K, 1]
    sel_emb = output_embedding[topk_idx]     # [K, C]

    out = jnp.concatenate([topk_scores[:, None], sel_boxes, sel_logits, sel_emb], axis=1)
    return out, topk_idx

if __name__ == "__main__":
    import jax
    _d = setup_inputs()
    print(jax.jit(kernel)(*tuple(_d.values())))

</pallas_src>

<mosaic_0001>
#map = affine_map<(d0, d1) -> (0)>
module attributes {stable_mosaic.version = 14 : i64} {
  func.func @_sc_body(%arg0: i32, %arg1: i32, %arg2: memref<1310720xf32, #tpu.memory_space<hbm>>, %arg3: memref<25600xf32, #tpu.memory_space<hbm>>, %arg4: memref<5120xi32, #tpu.memory_space<hbm>>, %arg5: memref<5120xi32, #tpu.memory_space<hbm>>, %arg6: memref<5120xi32, #tpu.memory_space<hbm>>, %arg7: memref<91392xf32, #tpu.memory_space<hbm>>, %arg8: memref<272xi32, #tpu.memory_space<hbm>>, %arg9: memref<320xf32, #tpu.memory_space<vmem>>, %arg10: memref<320xi32, #tpu.memory_space<vmem>>, %arg11: memref<320xi32, #tpu.memory_space<vmem>>, %arg12: memref<320xi32, #tpu.memory_space<vmem>>, %arg13: memref<320xi32, #tpu.memory_space<vmem>>, %arg14: memref<320xi32, #tpu.memory_space<vmem>>, %arg15: memref<320xi32, #tpu.memory_space<vmem>>, %arg16: memref<1024xi32, #tpu.memory_space<vmem>>, %arg17: memref<64xi32, #tpu.memory_space<vmem>>, %arg18: memref<64xi32, #tpu.memory_space<vmem>>, %arg19: memref<64xi32, #tpu.memory_space<vmem>>, %arg20: memref<336xi32, #tpu.memory_space<vmem>>, %arg21: memref<256xi32, #tpu.memory_space<vmem>>, %arg22: memref<16xi32, #tpu.memory_space<vmem>>, %arg23: memref<16xi32, #tpu.memory_space<vmem>>, %arg24: memref<336xi32, #tpu.memory_space<vmem>>, %arg25: memref<336xi32, #tpu.memory_space<vmem>>, %arg26: memref<2560xi32, #tpu.memory_space<vmem>>, %arg27: memref<160xi32, #tpu.memory_space<vmem>>, %arg28: memref<160xf32, #tpu.memory_space<vmem>>, %arg29: memref<2720xf32, #tpu.memory_space<vmem>>, %arg30: memref<64xi32, #tpu.memory_space<vmem_shared>>, %arg31: memref<256xi32, #tpu.memory_space<vmem_shared>>, %arg32: memref<336xi32, #tpu.memory_space<vmem_shared>>, %arg33: memref<336xi32, #tpu.memory_space<vmem_shared>>, %arg34: memref<!tpu.dma_semaphore, #tpu.memory_space<semaphore_mem>>, %arg35: memref<!tpu.dma_semaphore, #tpu.memory_space<semaphore_mem>>) attributes {dimension_semantics = [#tpu.dimension_semantics<core_parallel>, #tpu.dimension_semantics<subcore_parallel>], iteration_bounds = array<i64: 1, 16>, scalar_prefetch = 0 : i64, scratch_operands = 27 : i64, tpu.core_type = #tpu.core_type<sc_vector_subcore>, window_params = [{transform_indices = #map}, {transform_indices = #map}, {transform_indices = #map}, {transform_indices = #map}, {transform_indices = #map}, {transform_indices = #map}, {transform_indices = #map}]} {
    %mul3A = arith.constant 16 : i32
    %mul3A_0 = arith.muli %arg0, %mul3A : i32
    %add3A = arith.addi %mul3A_0, %arg1 : i32
    %mul3A_1 = arith.constant 320 : i32
    %mul3A_2 = arith.muli %arg1, %mul3A_1 : i32
    %iota3A = tpu.iota {dimensions = array<i32: 0>} : vector<16xi32>
    %broadcast_in_dim3A = arith.constant 0 : i32
    %broadcast_in_dim3A_3 = vector.broadcast %broadcast_in_dim3A : i32 to vector<16xi32>
    %broadcast_in_dim3A_4 = arith.constant 1 : i32
    %broadcast_in_dim3A_5 = vector.broadcast %broadcast_in_dim3A_4 : i32 to vector<16xi32>
    return
  }
}

</mosaic_0001>

<sc_bundles>
// kernel: kernel.3.cloned.1.call-start
scs
__scs_entry_jumppad:
0x0: {  	(pc) =	sbr.rel $0x88, $3  }
0x1: {  	(tag) =	ssettag $0x0;
	lr =	simm.s32 $0x1  }
0x2: {  	[smem:$0x3F9B] =	sst lr;
	_ =	strace $0xD0000000  }
0x3: {  	_ = 	snop  }
0x4: {  	_ = 	snop  }
0x5: {  	_ = 	snop  }
0x6: {  	_ = 	snop  }
0x7: {  	_ = 	snop  }
__scs_overlays_trampoline_lowered:
0x8: {  	[smem:$0x3FAA] =	sst s0  }
0x9: {  	[smem:$0x3FAB] =	sst s1  }
0xa: {  	[smem:$0x3FAC] =	sst s2  }
0xb: {  	[smem:$0x3FAD] =	sst s3  }
0xc: {  	[smem:$0x3FAE] =	sst s4  }
0xd: {  	[smem:$0x3FAF] =	sst s5  }
0xe: {  	[smem:$0x3FB0] =	sst s6  }
0xf: {  	[smem:$0x3FB1] =	sst s7  }
0x10: {  	[smem:$0x3FB2] =	sst s8  }
0x11: {  	[smem:$0x3FB3] =	sst s9;
	s0 =	simm.s32 @!p0 $0x0  }
0x12: {  	s1 =	sld [smem:$0x3F99];
	s0 =	simm.s32 @p0 $0x1  }
0x13: {  	[smem:$0x3FB4] =	sst s0;
	s0 =	simm.s32 @!p1 $0x0  }
0x14: {  	s2 =	sld [smem:$0x3F98];
	s0 =	simm.s32 @p1 $0x1  }
0x15: {  	[smem:$0x3FB5] =	sst s0;
	s0 =	simm.s32 @!p2 $0x0  }
0x16: {  	s3 =	sld [smem:$0x3FDB];
	s0 =	simm.s32 @p2 $0x1  }
0x17: {  	s4 =	simm.s32 $0x1BF5;
	[smem:$0x3FB7] =	sst s0  }
0x18: {  	s0 =	sld [smem:$0x3F9A];
	_ =	swait.ge [sflag:s4], $0x0  }
0x19: {  	s7 =	sld [smem:$0x3F9B]  }
0x1a: {  	s8 =	sadd.s32 $0xFFFFE003, lr  }
0x1b: {  	s9 =	sadd.s32 $0xFFFFFEF7, lr;
	s5 =	simm.s32 $0xFFFFFFFF;
	p2 =	slt.u32 s8, $0xFFFFF086  }
0x1c: {  	p1 =	slt.u32 s9, $0xF7A;
	s5 =	simm.s32 @!p2 $0x0  }
0x1d: {  	s5 =	simm.s32 @p1 $0x1;
	p0 =	seq.s32 s7, s2  }
0x1e: {  	s7 =	smul.u32 @!p0 $0xF7A, s2;
	p2 =	seq.s32 @!p0 s5, $0x0  }
0x1f: {  	s9 =	smul.u32 $0xF7A, s1;
	s8 =	simm.s32 @!p0 $0x1BF5;
	p2 =	por !p2, p0  }
0x20: {  	[sflag:s8] =	ssyncset.s32 @!p0 $0xFFFFF086;
	s6 =	sadd.s32 @!p0 s3, s7;
	s7 =	simm.s32 @!p0 $0x108  }
0x21: {  	s3 =	sadd.s32 s3, s9;
	s6 =	sadd.s32 @!p0 $0x88, s6;
	s7 =	simm.s32 @p2 $0x1082  }
0x22: {  	[simem:s7], [sflag:s8] =	dma.local @!p0 [hbm:s6], $0xF7A  }
0x23: {  	s9 =	sor.u32 $0xD0000000, s2;
	s6 =	simm.s32 $0x108;
	_ =	swait.ge @!p0 [sflag:s8], $0x0  }
0x24: {  	s3 =	sadd.s32 $0x88, s3;
	s6 =	simm.s32 @!p1 $0x1082;
	[sflag:s4] =	ssyncset.s32 $0xFFFFF086  }
0x25: {  	[simem:s6], [sflag:s4] =	dma.local [hbm:s3], $0xF7A  }
0x26: {  	[smem:$0x3F9B] =	sst s1;
	(tag) =	ssettag s2;
	_ =	strace s9  }
0x27: {  	s1 =	sld [smem:$0x3FAB]  }
0x28: {  	s2 =	sld [smem:$0x3FAC]  }
0x29: {  	s4 =	sld [smem:$0x3FAE]  }
0x2a: {  	p0 =	seq.s32 s5, $0x0;
	s5 =	sld [smem:$0x3FAF]  }
0x2b: {  	s6 =	sld [smem:$0x3FB0]  }
0x2c: {  	s7 =	sld [smem:$0x3FB1]  }
0x2d: {  	s3 =	simm.s32 $0x108;
	s8 =	sld [smem:$0x3FB2]  }
0x2e: {  	s3 =	simm.s32 @!p0 $0x1082;
	s9 =	sld [smem:$0x3FB3]  }
0x2f: {  	lr =	sadd.s32 s0, s3;
	s0 =	sld [smem:$0x3FAA]  }
0x30: {  	s3 =	sld [smem:$0x3FAD]  }
0x31: {  	[smem:$0x3FB6] =	sst s10  }
0x32: {  	s10 =	sld [smem:$0x3FB4];
	_ =	sdelay $0x3  }
0x33: {  	p0 =	seq.s32 s10, $0x1;
	s10 =	sld [smem:$0x3FB6];
	_ =	sdelay $0x3  }
0x34: {  	[smem:$0x3FB6] =	sst s10  }
0x35: {  	s10 =	sld [smem:$0x3FB5];
	_ =	sdelay $0x3  }
0x36: {  	p1 =	seq.s32 s10, $0x1;
	s10 =	sld [smem:$0x3FB6];
	_ =	sdelay $0x3  }
0x37: {  	[smem:$0x3FB6] =	sst s10  }
0x38: {  	s10 =	sld [smem:$0x3FB7]  }
0x39: {  	_ = 	snop;
	(pc) =	sbr.ind lr, $3  }
0x3a: {  	_ = 	snop  }
0x3b: {  	_ = 	snop  }
0x3c: {  	p2 =	seq.s32 s10, $0x1;
	s10 =	sld [smem:$0x3FB6]  }
0x3d: {  	_ =	shalt  }
0x3e: {  	_ =	shalt  }
0x3f: {  	_ =	shalt  }
0x40: {  	_ =	shalt  }
0x41: {  	_ =	shalt  }
0x42: {  	_ =	shalt  }
0x43: {  	_ =	shalt  }
0x44: {  	_ =	shalt  }
0x45: {  	_ =	shalt  }
0x46: {  	_ =	shalt  }
0x47: {  	_ =	shalt  }
0x48: {  	_ =	shalt  }
0x49: {  	_ =	shalt  }
0x4a: {  	_ =	shalt  }
0x4b: {  	_ =	shalt  }
0x4c: {  	_ =	shalt  }
0x4d: {  	_ =	shalt  }
0x4e: {  	_ =	shalt  }
0x4f: {  	_ =	shalt  }
0x50: {  	_ =	shalt  }
0x51: {  	_ =	shalt  }
0x52: {  	_ =	shalt  }
0x53: {  	_ =	shalt  }
0x54: {  	_ =	shalt  }
0x55: {  	_ =	shalt  }
0x56: {  	_ =	shalt  }
0x57: {  	_ =	shalt  }
0x58: {  	_ =	shalt  }
0x59: {  	_ =	shalt  }
0x5a: {  	_ =	shalt  }
0x5b: {  	_ =	shalt  }
0x5c: {  	_ =	shalt  }
0x5d: {  	_ =	shalt  }
0x5e: {  	_ =	shalt  }
0x5f: {  	_ =	shalt  }
0x60: {  	_ =	shalt  }
0x61: {  	_ =	shalt  }
0x62: {  	_ =	shalt  }
0x63: {  	_ =	shalt  }
0x64: {  	_ =	shalt  }
0x65: {  	_ =	shalt  }
0x66: {  	_ =	shalt  }
0x67: {  	_ =	shalt  }
0x68: {  	_ =	shalt  }
0x69: {  	_ =	shalt  }
0x6a: {  	_ =	shalt  }
0x6b: {  	_ =	shalt  }
0x6c: {  	_ =	shalt  }
0x6d: {  	_ =	shalt  }
0x6e: {  	_ =	shalt  }
0x6f: {  	_ =	shalt  }
0x70: {  	_ =	shalt  }
0x71: {  	_ =	shalt  }
0x72: {  	_ =	shalt  }
0x73: {  	_ =	shalt  }
0x74: {  	_ =	shalt  }
0x75: {  	_ =	shalt  }
0x76: {  	_ =	shalt  }
0x77: {  	_ =	shalt  }
0x78: {  	_ =	shalt  }
0x79: {  	_ =	shalt  }
0x7a: {  	_ =	shalt  }
0x7b: {  	_ =	shalt  }
0x7c: {  	_ =	shalt  }
0x7d: {  	_ =	shalt  }
0x7e: {  	_ =	shalt  }
0x7f: {  	_ =	shalt  }
0x80: {  	_ =	shalt  }
0x81: {  	_ =	shalt  }
0x82: {  	_ =	shalt  }
0x83: {  	_ =	shalt  }
0x84: {  	_ =	shalt  }
0x85: {  	_ =	shalt  }
0x86: {  	_ =	shalt  }
0x87: {  	_ =	shalt  }
.Lfunc_end0:
.L_simem_size_0:
called_computation_lowered:
.L_overlay_start_0:
0x88: {  	s0 =	sld [smem:$0x3FD9]  }
0x89: {  	s1 =	sld [smem:$0x3FFE];
	_ =	sdelay $0x3  }
0x8a: {  	s0 =	sadd.s32 s1, s0  }
0x8b: {  	[smem:$0x3FC2] =	sst s0  }
0x8c: {  	_ = 	snop  }
0x8d: {  	(tm) =	ssettm $0x1  }
0x8e: {  	s16 =	sld [smem:$0x3FFB];
	_ =	sdelay $0x3  }
0x8f: {  	_ =	strace s16  }
0x90: {  	s0 =	sld [smem:$0x3FFC];
	_ =	sdelay $0x3  }
0x91: {  	_ =	strace s0  }
0x92: {  	s0 =	sld [smem:$0x3FFD];
	_ =	sdelay $0x3  }
0x93: {  	_ =	strace s0  }
0x94: {  	_ =	strace $0x8FFFFFFF  }
0x95: {  	s17 =	sld [smem:$0x3FDB];
	_ =	sdelay $0x1  }
0x96: {  	s18 =	simm.s32 $_scs_section_size  }
0x97: {  	s2 =	simm.s32 $_size__tile_overlayer_lowered;
	s3 =	simm.s32 $_tile_overlayer_lowered  }
0x98: {  	s21 =	simm.s32 $0x1BFF;
	s20 =	sshll.u32 s3, $0x1;
	s0 =	sadd.s32 s18, s17  }
0x99: {  	s4 =	simm.s32 $0x0;
	s19 =	sshll.u32 s2, $0x1;
	s2 =	sadd.s32 s20, s0  }
0x9a: {  	[timem:s4], [sflag:s21] =	dma.local [hbm:s2], s19  }
0x9b: {  	_ =	swait.ge [sflag:s21], s19  }
0x9c: {  	s1 =	ssub.s32 $0x0, s19;
	[sflag:s21] =	ssyncset.done $0x0  }
0x9d: {  	[sflag:s21] =	ssyncadd.s32 s1;
	_ =	sdelay $0x1  }
0x9e: {  	s22 =	simm.s32 $0x1B8B  }
0x9f: {  	_ =	swait.ge [sflag:s22], $0x1  }
0xa0: {  	[sflag:s22] =	ssyncset.done $0x0  }
0xa1: {  	s23 =	simm.s32 $0x1B8E;
	[sflag:s22] =	ssyncadd.s32 $0xFFFFFFFF  }
0xa2: {  	s24 =	simm.s32 $execute0_lowered;
	[smem:$0x3FD2] =	sst s23  }
0xa3: {  	s1 =	sshll.u32 s24, $0x1;
	_ =	strace $0x80000046;
	[dreg:$0x1] =	wrdreg $0xFFFFFFFF  }
0xa4: {  	s25 =	simm.s32 $_size_execute0_lowered;
	s0 =	sadd.s32 s0, s1;
	[dreg:$0x0] =	wrdreg $0x0  }
0xa5: {  	s1 =	sshll.u32 s25, $0x1;
	[dreg:$0x2] =	wrdreg s0  }
0xa6: {  	[dreg:$0x3] =	wrdreg s1  }
0xa7: {  	[dreg:$0x4] =	wrdreg $0xC0  }
0xa8: {  	_ =	task [dreg:s4], $0x5FFFF  }
0xa9: {  	[dreg:$0x1] =	wrdreg $0xFFFFFFFF  }
0xaa: {  	[dreg:$0x0] =	wrdreg $0x60  }
0xab: {  	[dreg:$0x2] =	wrdreg $0x9  }
0xac: {  	_ =	task.clear_ibuf [dreg:s4], $0x3FFFF;
	_ =	strace $0x90000046  }
0xad: {  	s26 =	simm.s32 $0x9;
	_ =	strace $0x80000048  }
0xae: {  	_ =	swait.ge [sflag:s26], $0x1  }
0xaf: {  	[sflag:s26] =	ssyncadd.s32 $0xFFFFFFFF  }
0xb0: {  	_ =	strace $0x90000048  }
0xb1: {  	_ =	sfence  }
0xb2: {  	s28 =	sld [smem:$0x0];
	_ =	sdelay $0x1  }
0xb3: {  	s29 =	srdreg.scid  }
0xb4: {  	s30 =	sshll.u32 s29, $0xD;
	s31 =	sshrl.u32 s29, $0x2  }
0xb5: {  	s2 =	sand.u32 $0x4000, s30;
	s1 =	sand.u32 $0x1, s29;
	s0 =	sadd.s32 s31, s28  }
0xb6: {  	s1 =	sor.u32 s2, s1;
	s0 =	sshll.u32 s0, $0x11  }
0xb7: {  	s0 =	sor.u32 s0, s1  }
0xb8: {  	s0 =	sadd.s32 $0x8F2B, s0  }
0xb9: {  	[sflag:s0] =	ssyncadd.remote.s32 $0x1  }
0xba: {  	_ =	sfence.sel $0xFFFF  }
0xbb: {  	[dreg:$0x0] =	wrdreg $0xFFFFFFFF;
	(pc) =	sbr.abs _section_cstart, $3  }
0xbc: {  	[dreg:$0x1] =	wrdreg $0xFFFFFFFF  }
0xbd: {  	_ =	task.clear_ibuf [dreg:s4], $0x2FFFF;
	_ =	strace $0x9FFFFFFF  }
0xbe: {  	(tm) =	ssettm $0x7FFFFFFF  }
0xbf: {  	_ =	shalt  }
tec
execute0_lowered:
.L_overlay_start_1:
0x0: {  	(tag) =	ssettag $0x1  }
0x1: {  	s0 =	rddreg [dreg:$0x0];
	_ =	strace $0x80000047  }
0x2: {  	_ =	sfence.sel $0x180000  }
0x3: {  	s1 =	stileid.u32;
	[bflag:$0x0] =	sbarrier.arrive $0xFFFF  }
0x4: {  	p0 =	sne.s32 s1, $0x0;
	_ =	strace $0x90000047  }
0x5: {  	s0 =	sadd.s32 @!p0 $0x100000, s0;
	[bflag:$0x2] =	sbarrier.arrive $0xFFFF  }
0x6: {  	[sflag:s0] =	ssyncadd.tile.s32 @!p0 $0x1;
	_ =	shalt  }
.Lfunc_end2:
_tile_overlayer_lowered:
.L_overlay_start_2:
0x7: {  	(tag) =	ssettag $0x2  }
0x8: {  	s0 =	rddreg [dreg:$0x0];
	s2 =	stileid.u32  }
0x9: {  	s1 =	rddreg [dreg:$0x1];
	p0 =	sne.s32 s2, $0x0  }
0xa: {  	s3 =	rddreg [dreg:$0x2];
	[bflag:$0x3] =	sbarrier.arrive $0xFFFF;
	s2 =	simm.s32 @!p0 $0x1C01  }
0xb: {  	[timem:s3], [sflag:s2] =	dma.local @!p0 [hbm:s0], s1  }
0xc: {  	s0 =	simm.s32 @!p0 $0x1  }
0xd: {  	_ =	swait.ge @!p0 [sflag:s0], s1  }
0xe: {  	s1 =	ssub.s32 @!p0 $0x0, s1;
	[sflag:s0] =	ssyncset.done @!p0 $0x0  }
0xf: {  	[sflag:s0] =	ssyncadd.s32 @!p0 s1  }
0x10: {  	[bflag:$0x3] =	sbarrier.arrive $0xFFFF  }
0x11: {  	_ =	shalt  }

</sc_bundles>
